<compile_context>
chip_gen: v7x
topology: tpu7x:2x2x1
jax: 0.10.2.dev20260603
libtpu: 0.0.44.dev20260713+nightly
codegen_flags: <defaults>
</compile_context>

<pallas_src>
import jax
import jax.numpy as jnp
from jax import lax
from jax.experimental import pallas as pl
from jax.experimental.pallas import tpu as pltpu
import jax.experimental.pallas.tpu_sc as plsc

N = 5000
NPAD = 5120
NUM_CLASSES = 21
C = NUM_CLASSES - 1
NTOT = C * NPAD
BLK = 64
NBLK_C = NPAD // BLK
NBLK = NTOT // BLK
NUM_DET = 100
SCORE_T = 0.05
NMS_T = 0.5
IMG_W = 1333.0
IMG_H = 800.0
MIN_SIZE = 1.0
LOG_MAX = 4.135166556742356
OFF_STEP = IMG_W + 2.0
NEG_INF = float("-inf")

_INTERPRET = False


def _precompute_body(logit_ref, d4_ref, prop_ref, nbx1_ref, nby1_ref,
                     nbx2_ref, nby2_ref, work_ref,
                     rx1_ref, ry1_ref, rx2_ref, ry2_ref, s0_ref):
    logit = logit_ref[...]
    m = jnp.max(logit, axis=0, keepdims=True)
    e = jnp.exp(logit - m)
    ssum = jnp.sum(e, axis=0, keepdims=True)
    scores_all = e / ssum
    scores = scores_all[1:, :]

    px1 = prop_ref[0, :][None, :]
    py1 = prop_ref[1, :][None, :]
    px2 = prop_ref[2, :][None, :]
    py2 = prop_ref[3, :][None, :]
    widths = px2 - px1
    heights = py2 - py1
    ctr_x = px1 + 0.5 * widths
    ctr_y = py1 + 0.5 * heights

    dx = d4_ref[0] / 10.0
    dy = d4_ref[1] / 10.0
    dw = jnp.minimum(d4_ref[2] / 5.0, LOG_MAX)
    dh = jnp.minimum(d4_ref[3] / 5.0, LOG_MAX)

    pcx = dx * widths + ctr_x
    pcy = dy * heights + ctr_y
    pw = jnp.exp(dw) * widths
    ph = jnp.exp(dh) * heights

    x1 = jnp.clip(pcx - 0.5 * pw, 0.0, IMG_W)
    y1 = jnp.clip(pcy - 0.5 * ph, 0.0, IMG_H)
    x2 = jnp.clip(pcx + 0.5 * pw, 0.0, IMG_W)
    y2 = jnp.clip(pcy + 0.5 * ph, 0.0, IMG_H)

    cls_iota = lax.broadcasted_iota(jnp.int32, (C, NPAD), 0).astype(jnp.float32)
    offset = (cls_iota + 1.0) * OFF_STEP
    nbx1 = x1 + offset
    nby1 = y1 + offset
    nbx2 = x2 + offset
    nby2 = y2 + offset

    ws = x2 - x1
    hs = y2 - y1
    lane = lax.broadcasted_iota(jnp.int32, (C, NPAD), 1)
    valid = (scores > SCORE_T) & (ws >= MIN_SIZE) & (hs >= MIN_SIZE) \
        & (lane < N)
    work = jnp.where(valid, scores, NEG_INF)

    nbx1_ref[...] = nbx1
    nby1_ref[...] = nby1
    nbx2_ref[...] = nbx2
    nby2_ref[...] = nby2
    work_ref[...] = work
    rx1_ref[...] = x1
    ry1_ref[...] = y1
    rx2_ref[...] = x2
    ry2_ref[...] = y2
    s0_ref[...] = scores[0:1, 0:1]


def _bmax_body(w_ref, bmax_ref):
    bmax_ref[...] = jnp.max(w_ref[...], axis=1)


def _sc_nms(work_flat, bmax, rec, s0):
    mesh = plsc.VectorSubcoreMesh(core_axis_name="c", subcore_axis_name="s",
                                  num_cores=2, num_subcores=16)

    def body(work_hbm, bmax_hbm, rec_hbm, s0_hbm, out_hbm,
             bmax_v, clsmax_v, selx1_v, sely1_v, selx2_v,
             sely2_v, sela_v, sellb_v, rec_v, s0_v, out_v, wblk_v,
             sem_rec, sem_a, sem_b):
        cid = lax.axis_index("c")
        sid = lax.axis_index("s")

        @pl.when((cid == 0) & (sid == 0))
        def _():
            pass
            pltpu.sync_copy(out_v, out_hbm)

    f = pl.kernel(
        body,
        out_type=jax.ShapeDtypeStruct((NUM_DET * 16,), jnp.float32),
        mesh=mesh,
        compiler_params=pltpu.CompilerParams(needs_layout_passes=False),
        scratch_types=[
            pltpu.VMEM((NBLK,), jnp.float32),
            pltpu.VMEM((32,), jnp.float32),
            pltpu.VMEM((128,), jnp.float32),
            pltpu.VMEM((128,), jnp.float32),
            pltpu.VMEM((128,), jnp.float32),
            pltpu.VMEM((128,), jnp.float32),
            pltpu.VMEM((128,), jnp.float32),
            pltpu.VMEM((128,), jnp.float32),
            pltpu.VMEM((16,), jnp.float32),
            pltpu.VMEM((16,), jnp.float32),
            pltpu.VMEM((NUM_DET * 16,), jnp.float32),
            pltpu.VMEM((BLK,), jnp.float32),
            pltpu.SemaphoreType.DMA,
            pltpu.SemaphoreType.DMA,
            pltpu.SemaphoreType.DMA,
        ],
        interpret=_INTERPRET,
    )
    return f(work_flat, bmax, rec, s0)


@jax.jit
def kernel(class_logit, box_regression, proposal):
    logit_t = jnp.pad(class_logit, ((0, NPAD - N), (0, 0))).T
    d4 = jnp.pad(
        jnp.transpose(box_regression.reshape(N, NUM_CLASSES, 4)[:, 1:, :],
                      (2, 1, 0)),
        ((0, 0), (0, 0), (0, NPAD - N)))
    prop_t = jnp.pad(proposal, ((0, NPAD - N), (0, 0))).T

    big = jax.ShapeDtypeStruct((C, NPAD), jnp.float32)
    pre = pl.pallas_call(
        _precompute_body,
        out_shape=(big,) * 9 + (jax.ShapeDtypeStruct((1, 1), jnp.float32),),
        interpret=_INTERPRET,
    )(logit_t, d4, prop_t)
    nbx1, nby1, nbx2, nby2, work, rx1, ry1, rx2, ry2, s0 = pre

    bmax = pl.pallas_call(
        _bmax_body,
        out_shape=jax.ShapeDtypeStruct((NBLK,), jnp.float32),
        interpret=_INTERPRET,
    )(work.reshape(NBLK, BLK))

    rec = jnp.stack([nbx1, nby1, nbx2, nby2], axis=-1).reshape(-1)
    s0v = jnp.broadcast_to(s0.reshape(1), (8,))

    out = _sc_nms(work.reshape(-1), bmax, rec, s0v).reshape(NUM_DET, 16)

    boxes = out[:, 0:4]
    scores = out[:, 4]
    labels = out[:, 5].astype(jnp.int32)
    return boxes, scores, labels

# --- scband reference (transcript-rebuilt; emitter-appended) ---
"""Pipeline reference for scband-ro-iheads-41721312313796 (READ-ONLY COPY).

The authoritative reference and input builder live on the scoring server;
editing this copy changes nothing except your own understanding.
"""

import jax, jax.numpy as jnp
import numpy as np

N = 5000
NUM_CLASSES = 21
NUM_DET = 100
REG_W = (10.0, 10.0, 5.0, 5.0)
SCORE_T = 0.05
NMS_T = 0.5
IMG_W = 1333.0
IMG_H = 800.0
MIN_SIZE = 1.0
LOG_MAX = float(np.log(1000.0 / 16.0))


def setup_inputs(seed: int = 0):
    key = jax.random.key(seed)
    k1, k2, k3, k4 = jax.random.split(key, 4)
    class_logit = jax.random.normal(k1, (N, NUM_CLASSES), dtype=jnp.float32)
    box_regression = jax.random.normal(k2, (N, NUM_CLASSES * 4), dtype=jnp.float32) * 0.5
    cx = jax.random.uniform(k3, (N,), dtype=jnp.float32) * IMG_W
    cy = jax.random.uniform(jax.random.fold_in(k3, 1), (N,), dtype=jnp.float32) * IMG_H
    w = jax.random.uniform(k4, (N,), dtype=jnp.float32) * 120.0 + 8.0
    h = jax.random.uniform(jax.random.fold_in(k4, 1), (N,), dtype=jnp.float32) * 120.0 + 8.0
    proposal = jnp.stack([cx - w / 2, cy - h / 2, cx + w / 2, cy + h / 2], axis=1)
    return {"class_logit": class_logit, "box_regression": box_regression, "proposal": proposal}


def _decode(deltas, boxes):
    # torchvision BoxCoder.decode with weights REG_W
    widths = boxes[:, 2] - boxes[:, 0]
    heights = boxes[:, 3] - boxes[:, 1]
    ctr_x = boxes[:, 0] + 0.5 * widths
    ctr_y = boxes[:, 1] + 0.5 * heights
    wx, wy, ww, wh = REG_W
    dx = deltas[..., 0] / wx
    dy = deltas[..., 1] / wy
    dw = jnp.minimum(deltas[..., 2] / ww, LOG_MAX)
    dh = jnp.minimum(deltas[..., 3] / wh, LOG_MAX)
    pcx = dx * widths[:, None] + ctr_x[:, None]
    pcy = dy * heights[:, None] + ctr_y[:, None]
    pw = jnp.exp(dw) * widths[:, None]
    ph = jnp.exp(dh) * heights[:, None]
    return jnp.stack([pcx - 0.5 * pw, pcy - 0.5 * ph, pcx + 0.5 * pw, pcy + 0.5 * ph], axis=-1)


def _postprocess(class_logit, box_regression, proposal):
    # RoIHeads inference path: softmax scores, decode boxes per class, clip,
    # score-threshold + min-size filter, class-aware (batched) greedy NMS,
    # keep top num_detections. Static shapes: invalid slots score = -inf.
    scores_all = jax.nn.softmax(class_logit, axis=-1)
    deltas = box_regression.reshape(N, NUM_CLASSES, 4)
    boxes_all = _decode(deltas, proposal)
    x1 = jnp.clip(boxes_all[..., 0], 0.0, IMG_W)
    y1 = jnp.clip(boxes_all[..., 1], 0.0, IMG_H)
    x2 = jnp.clip(boxes_all[..., 2], 0.0, IMG_W)
    y2 = jnp.clip(boxes_all[..., 3], 0.0, IMG_H)
    boxes_all = jnp.stack([x1, y1, x2, y2], axis=-1)
    # drop background class 0
    boxes = boxes_all[:, 1:, :].reshape(-1, 4)
    scores = scores_all[:, 1:].reshape(-1)
    labels = jnp.broadcast_to(jnp.arange(1, NUM_CLASSES)[None, :], (N, NUM_CLASSES - 1)).reshape(-1)
    ws = boxes[:, 2] - boxes[:, 0]
    hs = boxes[:, 3] - boxes[:, 1]
    valid = (scores > SCORE_T) & (ws >= MIN_SIZE) & (hs >= MIN_SIZE)
    work = jnp.where(valid, scores, -jnp.inf)
    # batched_nms trick: offset boxes by class so cross-class IoU is 0
    offset = labels.astype(jnp.float32) * (max(IMG_W, IMG_H) + 2.0)
    nb = boxes + offset[:, None]
    areas = (nb[:, 2] - nb[:, 0]) * (nb[:, 3] - nb[:, 1])
    sel_b, sel_s, sel_l = [], [], []
    for _ in range(NUM_DET):
        i = jnp.argmax(work)
        sel_b.append(boxes[i])
        sel_s.append(scores[i])
        sel_l.append(labels[i])
        bi = nb[i]
        xx1 = jnp.maximum(nb[:, 0], bi[0])
        yy1 = jnp.maximum(nb[:, 1], bi[1])
        xx2 = jnp.minimum(nb[:, 2], bi[2])
        yy2 = jnp.minimum(nb[:, 3], bi[3])
        inter = jnp.maximum(xx2 - xx1, 0.0) * jnp.maximum(yy2 - yy1, 0.0)
        iou = inter / (areas + areas[i] - inter + 1e-9)
        work = jnp.where(iou > NMS_T, -jnp.inf, work)
        work = work.at[i].set(-jnp.inf)
    return jnp.stack(sel_b), jnp.stack(sel_s), jnp.stack(sel_l)


def reference(class_logit, box_regression, proposal):
    return _postprocess(class_logit, box_regression, proposal)

if __name__ == "__main__":
    import jax
    _d = setup_inputs()
    print(jax.jit(kernel)(*tuple(_d.values())))

</pallas_src>

<mosaic_0001>
#map = affine_map<(d0, d1) -> (0)>
module attributes {stable_mosaic.version = 14 : i64} {
  func.func @body(%arg0: i32, %arg1: i32, %arg2: memref<102400xf32, #tpu.memory_space<hbm>>, %arg3: memref<1600xf32, #tpu.memory_space<hbm>>, %arg4: memref<409600xf32, #tpu.memory_space<hbm>>, %arg5: memref<8xf32, #tpu.memory_space<hbm>>, %arg6: memref<1600xf32, #tpu.memory_space<hbm>>, %arg7: memref<1600xf32, #tpu.memory_space<vmem>>, %arg8: memref<32xf32, #tpu.memory_space<vmem>>, %arg9: memref<128xf32, #tpu.memory_space<vmem>>, %arg10: memref<128xf32, #tpu.memory_space<vmem>>, %arg11: memref<128xf32, #tpu.memory_space<vmem>>, %arg12: memref<128xf32, #tpu.memory_space<vmem>>, %arg13: memref<128xf32, #tpu.memory_space<vmem>>, %arg14: memref<128xf32, #tpu.memory_space<vmem>>, %arg15: memref<16xf32, #tpu.memory_space<vmem>>, %arg16: memref<16xf32, #tpu.memory_space<vmem>>, %arg17: memref<1600xf32, #tpu.memory_space<vmem>>, %arg18: memref<64xf32, #tpu.memory_space<vmem>>, %arg19: memref<!tpu.dma_semaphore, #tpu.memory_space<semaphore_mem>>, %arg20: memref<!tpu.dma_semaphore, #tpu.memory_space<semaphore_mem>>, %arg21: memref<!tpu.dma_semaphore, #tpu.memory_space<semaphore_mem>>) attributes {dimension_semantics = [#tpu.dimension_semantics<core_parallel>, #tpu.dimension_semantics<subcore_parallel>], iteration_bounds = array<i64: 2, 16>, scalar_prefetch = 0 : i64, scratch_operands = 15 : i64, tpu.core_type = #tpu.core_type<sc_vector_subcore>, window_params = [{transform_indices = #map}, {transform_indices = #map}, {transform_indices = #map}, {transform_indices = #map}, {transform_indices = #map}]} {
    %eq3A = arith.constant 0 : i32
    %eq3A_0 = arith.cmpi eq, %arg0, %eq3A : i32
    %eq3A_1 = arith.constant 0 : i32
    %eq3A_2 = arith.cmpi eq, %arg1, %eq3A_1 : i32
    %and3A = arith.andi %eq3A_0, %eq3A_2 : i1
    %convert_element_type3A = arith.extui %and3A : i1 to i32
    %cond3A = arith.constant 0 : i32
    %cond3A_3 = arith.cmpi ne, %convert_element_type3A, %cond3A : i32
    scf.if %cond3A_3 {
      "tpu.region"() ({
        %run_scoped3A = tpu.sem_alloc : memref<!tpu.dma_semaphore, #tpu.memory_space<semaphore_mem>>
        tpu.enqueue_dma source(%arg17 : memref<1600xf32, #tpu.memory_space<vmem>>) target(%arg6 : memref<1600xf32, #tpu.memory_space<hbm>>) target_semaphore(%run_scoped3A : memref<!tpu.dma_semaphore, #tpu.memory_space<semaphore_mem>>)
        tpu.wait_dma2 semaphore(%run_scoped3A : memref<!tpu.dma_semaphore, #tpu.memory_space<semaphore_mem>>) src(%arg17 : memref<1600xf32, #tpu.memory_space<vmem>>) dst(%arg6 : memref<1600xf32, #tpu.memory_space<hbm>>)
        tpu.yield
      }) : () -> ()
    } else {
    }
    return
  }
}

module attributes {stable_mosaic.version = 14 : i64} {
  func.func @_precompute_body(%arg0: memref<21x5120xf32, #tpu.memory_space<vmem>>, %arg1: memref<4x20x5120xf32, #tpu.memory_space<vmem>>, %arg2: memref<4x5120xf32, #tpu.memory_space<vmem>>, %arg3: memref<20x5120xf32, #tpu.memory_space<vmem>>, %arg4: memref<20x5120xf32, #tpu.memory_space<vmem>>, %arg5: memref<20x5120xf32, #tpu.memory_space<vmem>>, %arg6: memref<20x5120xf32, #tpu.memory_space<vmem>>, %arg7: memref<20x5120xf32, #tpu.memory_space<vmem>>, %arg8: memref<20x5120xf32, #tpu.memory_space<vmem>>, %arg9: memref<20x5120xf32, #tpu.memory_space<vmem>>, %arg10: memref<20x5120xf32, #tpu.memory_space<vmem>>, %arg11: memref<20x5120xf32, #tpu.memory_space<vmem>>, %arg12: memref<1x1xf32, #tpu.memory_space<vmem>>) attributes {dimension_semantics = [], scalar_prefetch = 0 : i64, scratch_operands = 0 : i64, tpu.core_type = #tpu.core_type<tc>} {
    %get3A = arith.constant 0 : index
    %get3A_0 = arith.constant 0 : index
    %get3A_1 = vector.load %arg0[%get3A, %get3A_0] : memref<21x5120xf32, #tpu.memory_space<vmem>>, vector<21x5120xf32>
    %reduce_max3A = arith.constant dense<0xFF800000> : vector<5120xf32>
    %reduce_max3A_2 = vector.multi_reduction <maximumf>, %get3A_1, %reduce_max3A [0] : vector<21x5120xf32> to vector<5120xf32>
    %broadcast_in_dim3A = vector.shape_cast %reduce_max3A_2 : vector<5120xf32> to vector<1x5120xf32>
    %sub3A = vector.broadcast %broadcast_in_dim3A : vector<1x5120xf32> to vector<21x5120xf32>
    %sub3A_3 = arith.subf %get3A_1, %sub3A : vector<21x5120xf32>
    %exp3A = math.exp %sub3A_3 : vector<21x5120xf32>
    %reduce_sum3A = arith.constant dense<0.000000e+00> : vector<5120xf32>
    %reduce_sum3A_4 = vector.multi_reduction <add>, %exp3A, %reduce_sum3A [0] : vector<21x5120xf32> to vector<5120xf32>
    %broadcast_in_dim3A_5 = vector.shape_cast %reduce_sum3A_4 : vector<5120xf32> to vector<1x5120xf32>
    %div3A = vector.broadcast %broadcast_in_dim3A_5 : vector<1x5120xf32> to vector<21x5120xf32>
    %div3A_6 = arith.divf %exp3A, %div3A : vector<21x5120xf32>
    %slice3A = vector.extract_strided_slice %div3A_6 {offsets = [1, 0], sizes = [20, 5120], strides = [1, 1]} : vector<21x5120xf32> to vector<20x5120xf32>
    %get3A_7 = arith.constant 0 : index
    %get3A_8 = arith.constant 0 : index
    %get3A_9 = vector.load %arg2[%get3A_7, %get3A_8] : memref<4x5120xf32, #tpu.memory_space<vmem>>, vector<1x5120xf32>
    %get3A_10 = vector.shape_cast %get3A_9 : vector<1x5120xf32> to vector<5120xf32>
    %broadcast_in_dim3A_11 = vector.shape_cast %get3A_10 : vector<5120xf32> to vector<1x5120xf32>
    %get3A_12 = arith.constant 1 : index
    %get3A_13 = arith.constant 0 : index
    %get3A_14 = vector.load %arg2[%get3A_12, %get3A_13] : memref<4x5120xf32, #tpu.memory_space<vmem>>, vector<1x5120xf32>
    %get3A_15 = vector.shape_cast %get3A_14 : vector<1x5120xf32> to vector<5120xf32>
    %broadcast_in_dim3A_16 = vector.shape_cast %get3A_15 : vector<5120xf32> to vector<1x5120xf32>
    %get3A_17 = arith.constant 2 : index
    %get3A_18 = arith.constant 0 : index
    %get3A_19 = vector.load %arg2[%get3A_17, %get3A_18] : memref<4x5120xf32, #tpu.memory_space<vmem>>, vector<1x5120xf32>
    %get3A_20 = vector.shape_cast %get3A_19 : vector<1x5120xf32> to vector<5120xf32>
    %broadcast_in_dim3A_21 = vector.shape_cast %get3A_20 : vector<5120xf32> to vector<1x5120xf32>
    %get3A_22 = arith.constant 3 : index
    %get3A_23 = arith.constant 0 : index
    %get3A_24 = vector.load %arg2[%get3A_22, %get3A_23] : memref<4x5120xf32, #tpu.memory_space<vmem>>, vector<1x5120xf32>
    %get3A_25 = vector.shape_cast %get3A_24 : vector<1x5120xf32> to vector<5120xf32>
    %broadcast_in_dim3A_26 = vector.shape_cast %get3A_25 : vector<5120xf32> to vector<1x5120xf32>
    %sub3A_27 = arith.subf %broadcast_in_dim3A_21, %broadcast_in_dim3A_11 : vector<1x5120xf32>
    %sub3A_28 = arith.subf %broadcast_in_dim3A_26, %broadcast_in_dim3A_16 : vector<1x5120xf32>
    %mul3A = arith.constant 5.000000e-01 : f32
    %mul3A_29 = vector.broadcast %mul3A : f32 to vector<1x5120xf32>
    %mul3A_30 = arith.mulf %mul3A_29, %sub3A_27 : vector<1x5120xf32>
    %add3A = arith.addf %broadcast_in_dim3A_11, %mul3A_30 : vector<1x5120xf32>
    %mul3A_31 = arith.constant 5.000000e-01 : f32
    %mul3A_32 = vector.broadcast %mul3A_31 : f32 to vector<1x5120xf32>
    %mul3A_33 = arith.mulf %mul3A_32, %sub3A_28 : vector<1x5120xf32>
    %add3A_34 = arith.addf %broadcast_in_dim3A_16, %mul3A_33 : vector<1x5120xf32>
    %get3A_35 = arith.constant 0 : index
    %get3A_36 = arith.constant 0 : index
    %get3A_37 = arith.constant 0 : index
    %get3A_38 = vector.load %arg1[%get3A_35, %get3A_36, %get3A_37] : memref<4x20x5120xf32, #tpu.memory_space<vmem>>, vector<1x20x5120xf32>
    %get3A_39 = vector.shape_cast %get3A_38 : vector<1x20x5120xf32> to vector<20x5120xf32>
    %div3A_40 = arith.constant 1.000000e+01 : f32
    %div3A_41 = vector.broadcast %div3A_40 : f32 to vector<20x5120xf32>
    %div3A_42 = arith.divf %get3A_39, %div3A_41 : vector<20x5120xf32>
    %get3A_43 = arith.constant 1 : index
    %get3A_44 = arith.constant 0 : index
    %get3A_45 = arith.constant 0 : index
    %get3A_46 = vector.load %arg1[%get3A_43, %get3A_44, %get3A_45] : memref<4x20x5120xf32, #tpu.memory_space<vmem>>, vector<1x20x5120xf32>
    %get3A_47 = vector.shape_cast %get3A_46 : vector<1x20x5120xf32> to vector<20x5120xf32>
    %div3A_48 = arith.constant 1.000000e+01 : f32
    %div3A_49 = vector.broadcast %div3A_48 : f32 to vector<20x5120xf32>
    %div3A_50 = arith.divf %get3A_47, %div3A_49 : vector<20x5120xf32>
    %get3A_51 = arith.constant 2 : index
    %get3A_52 = arith.constant 0 : index
    %get3A_53 = arith.constant 0 : index
    %get3A_54 = vector.load %arg1[%get3A_51, %get3A_52, %get3A_53] : memref<4x20x5120xf32, #tpu.memory_space<vmem>>, vector<1x20x5120xf32>
    %get3A_55 = vector.shape_cast %get3A_54 : vector<1x20x5120xf32> to vector<20x5120xf32>
    %div3A_56 = arith.constant 5.000000e+00 : f32
    %div3A_57 = vector.broadcast %div3A_56 : f32 to vector<20x5120xf32>
    %div3A_58 = arith.divf %get3A_55, %div3A_57 : vector<20x5120xf32>
    %min3A = arith.constant 4.13516665 : f32
    %min3A_59 = vector.broadcast %min3A : f32 to vector<20x5120xf32>
    %min3A_60 = arith.minimumf %div3A_58, %min3A_59 : vector<20x5120xf32>
    %get3A_61 = arith.constant 3 : index
    %get3A_62 = arith.constant 0 : index
    %get3A_63 = arith.constant 0 : index
    %get3A_64 = vector.load %arg1[%get3A_61, %get3A_62, %get3A_63] : memref<4x20x5120xf32, #tpu.memory_space<vmem>>, vector<1x20x5120xf32>
    %get3A_65 = vector.shape_cast %get3A_64 : vector<1x20x5120xf32> to vector<20x5120xf32>
    %div3A_66 = arith.constant 5.000000e+00 : f32
    %div3A_67 = vector.broadcast %div3A_66 : f32 to vector<20x5120xf32>
    %div3A_68 = arith.divf %get3A_65, %div3A_67 : vector<20x5120xf32>
    %min3A_69 = arith.constant 4.13516665 : f32
    %min3A_70 = vector.broadcast %min3A_69 : f32 to vector<20x5120xf32>
    %min3A_71 = arith.minimumf %div3A_68, %min3A_70 : vector<20x5120xf32>
    %mul3A_72 = vector.broadcast %sub3A_27 : vector<1x5120xf32> to vector<20x5120xf32>
    %mul3A_73 = arith.mulf %div3A_42, %mul3A_72 : vector<20x5120xf32>
    %add3A_74 = vector.broadcast %add3A : vector<1x5120xf32> to vector<20x5120xf32>
    %add3A_75 = arith.addf %mul3A_73, %add3A_74 : vector<20x5120xf32>
    %mul3A_76 = vector.broadcast %sub3A_28 : vector<1x5120xf32> to vector<20x5120xf32>
    %mul3A_77 = arith.mulf %div3A_50, %mul3A_76 : vector<20x5120xf32>
    %add3A_78 = vector.broadcast %add3A_34 : vector<1x5120xf32> to vector<20x5120xf32>
    %add3A_79 = arith.addf %mul3A_77, %add3A_78 : vector<20x5120xf32>
    %exp3A_80 = math.exp %min3A_60 : vector<20x5120xf32>
    %mul3A_81 = vector.broadcast %sub3A_27 : vector<1x5120xf32> to vector<20x5120xf32>
    %mul3A_82 = arith.mulf %exp3A_80, %mul3A_81 : vector<20x5120xf32>
    %exp3A_83 = math.exp %min3A_71 : vector<20x5120xf32>
    %mul3A_84 = vector.broadcast %sub3A_28 : vector<1x5120xf32> to vector<20x5120xf32>
    %mul3A_85 = arith.mulf %exp3A_83, %mul3A_84 : vector<20x5120xf32>
    %mul3A_86 = arith.constant 5.000000e-01 : f32
    %mul3A_87 = vector.broadcast %mul3A_86 : f32 to vector<20x5120xf32>
    %mul3A_88 = arith.mulf %mul3A_87, %mul3A_82 : vector<20x5120xf32>
    %sub3A_89 = arith.subf %add3A_75, %mul3A_88 : vector<20x5120xf32>
    %jit3A = arith.constant 0.000000e+00 : f32
    %jit3A_90 = arith.constant 1.333000e+03 : f32
    %max3A = vector.broadcast %jit3A : f32 to vector<20x5120xf32>
    %max3A_91 = arith.maximumf %max3A, %sub3A_89 : vector<20x5120xf32>
    %min3A_92 = vector.broadcast %jit3A_90 : f32 to vector<20x5120xf32>
    %min3A_93 = arith.minimumf %min3A_92, %max3A_91 : vector<20x5120xf32>
    %mul3A_94 = arith.constant 5.000000e-01 : f32
    %mul3A_95 = vector.broadcast %mul3A_94 : f32 to vector<20x5120xf32>
    %mul3A_96 = arith.mulf %mul3A_95, %mul3A_85 : vector<20x5120xf32>
    %sub3A_97 = arith.subf %add3A_79, %mul3A_96 : vector<20x5120xf32>
    %jit3A_98 = arith.constant 0.000000e+00 : f32
    %jit3A_99 = arith.constant 8.000000e+02 : f32
    %max3A_100 = vector.broadcast %jit3A_98 : f32 to vector<20x5120xf32>
    %max3A_101 = arith.maximumf %max3A_100, %sub3A_97 : vector<20x5120xf32>
    %min3A_102 = vector.broadcast %jit3A_99 : f32 to vector<20x5120xf32>
    %min3A_103 = arith.minimumf %min3A_102, %max3A_101 : vector<20x5120xf32>
    %mul3A_104 = arith.constant 5.000000e-01 : f32
    %mul3A_105 = vector.broadcast %mul3A_104 : f32 to vector<20x5120xf32>
    %mul3A_106 = arith.mulf %mul3A_105, %mul3A_82 : vector<20x5120xf32>
    %add3A_107 = arith.addf %add3A_75, %mul3A_106 : vector<20x5120xf32>
    %jit3A_108 = arith.constant 0.000000e+00 : f32
    %jit3A_109 = arith.constant 1.333000e+03 : f32
    %max3A_110 = vector.broadcast %jit3A_108 : f32 to vector<20x5120xf32>
    %max3A_111 = arith.maximumf %max3A_110, %add3A_107 : vector<20x5120xf32>
    %min3A_112 = vector.broadcast %jit3A_109 : f32 to vector<20x5120xf32>
    %min3A_113 = arith.minimumf %min3A_112, %max3A_111 : vector<20x5120xf32>
    %mul3A_114 = arith.constant 5.000000e-01 : f32
    %mul3A_115 = vector.broadcast %mul3A_114 : f32 to vector<20x5120xf32>
    %mul3A_116 = arith.mulf %mul3A_115, %mul3A_85 : vector<20x5120xf32>
    %add3A_117 = arith.addf %add3A_79, %mul3A_116 : vector<20x5120xf32>
    %jit3A_118 = arith.constant 0.000000e+00 : f32
    %jit3A_119 = arith.constant 8.000000e+02 : f32
    %max3A_120 = vector.broadcast %jit3A_118 : f32 to vector<20x5120xf32>
    %max3A_121 = arith.maximumf %max3A_120, %add3A_117 : vector<20x5120xf32>
    %min3A_122 = vector.broadcast %jit3A_119 : f32 to vector<20x5120xf32>
    %min3A_123 = arith.minimumf %min3A_122, %max3A_121 : vector<20x5120xf32>
    %iota3A = tpu.iota {dimensions = array<i32: 0>} : vector<20x5120xi32>
    %convert_element_type3A = arith.sitofp %iota3A : vector<20x5120xi32> to vector<20x5120xf32>
    %add3A_124 = arith.constant 1.000000e+00 : f32
    %add3A_125 = vector.broadcast %add3A_124 : f32 to vector<20x5120xf32>
    %add3A_126 = arith.addf %convert_element_type3A, %add3A_125 : vector<20x5120xf32>
    %mul3A_127 = arith.constant 1.335000e+03 : f32
    %mul3A_128 = vector.broadcast %mul3A_127 : f32 to vector<20x5120xf32>
    %mul3A_129 = arith.mulf %add3A_126, %mul3A_128 : vector<20x5120xf32>
    %add3A_130 = arith.addf %min3A_93, %mul3A_129 : vector<20x5120xf32>
    %add3A_131 = arith.addf %min3A_103, %mul3A_129 : vector<20x5120xf32>
    %add3A_132 = arith.addf %min3A_113, %mul3A_129 : vector<20x5120xf32>
    %add3A_133 = arith.addf %min3A_123, %mul3A_129 : vector<20x5120xf32>
    %sub3A_134 = arith.subf %min3A_113, %min3A_93 : vector<20x5120xf32>
    %sub3A_135 = arith.subf %min3A_123, %min3A_103 : vector<20x5120xf32>
    %iota3A_136 = tpu.iota {dimensions = array<i32: 1>} : vector<20x5120xi32>
    %gt3A = arith.constant 5.000000e-02 : f32
    %gt3A_137 = vector.broadcast %gt3A : f32 to vector<20x5120xf32>
    %gt3A_138 = arith.cmpf ogt, %slice3A, %gt3A_137 : vector<20x5120xf32>
    %ge3A = arith.constant 1.000000e+00 : f32
    %ge3A_139 = vector.broadcast %ge3A : f32 to vector<20x5120xf32>
    %ge3A_140 = arith.cmpf oge, %sub3A_134, %ge3A_139 : vector<20x5120xf32>
    %and3A = arith.andi %gt3A_138, %ge3A_140 : vector<20x5120xi1>
    %ge3A_141 = arith.constant 1.000000e+00 : f32
    %ge3A_142 = vector.broadcast %ge3A_141 : f32 to vector<20x5120xf32>
    %ge3A_143 = arith.cmpf oge, %sub3A_135, %ge3A_142 : vector<20x5120xf32>
    %and3A_144 = arith.andi %and3A, %ge3A_143 : vector<20x5120xi1>
    %lt3A = arith.constant 5000 : i32
    %lt3A_145 = vector.broadcast %lt3A : i32 to vector<20x5120xi32>
    %lt3A_146 = arith.cmpi slt, %iota3A_136, %lt3A_145 : vector<20x5120xi32>
    %and3A_147 = arith.andi %and3A_144, %lt3A_146 : vector<20x5120xi1>
    %jit3A_148 = arith.constant 0xFF800000 : f32
    %broadcast_in_dim3A_149 = vector.broadcast %jit3A_148 : f32 to vector<20x5120xf32>
    %select_n3A = arith.select %and3A_147, %slice3A, %broadcast_in_dim3A_149 : vector<20x5120xi1>, vector<20x5120xf32>
    %swap3A = arith.constant 0 : index
    %swap3A_150 = arith.constant 0 : index
    %swap3A_151 = vector.load %arg3[%swap3A, %swap3A_150] : memref<20x5120xf32, #tpu.memory_space<vmem>>, vector<20x5120xf32>
    tpu.vector_store %arg3[%swap3A, %swap3A_150], %add3A_130 {strides = array<i32>} : memref<20x5120xf32, #tpu.memory_space<vmem>>, vector<20x5120xf32>,
    %swap3A_152 = arith.constant 0 : index
    %swap3A_153 = arith.constant 0 : index
    %swap3A_154 = vector.load %arg4[%swap3A_152, %swap3A_153] : memref<20x5120xf32, #tpu.memory_space<vmem>>, vector<20x5120xf32>
    tpu.vector_store %arg4[%swap3A_152, %swap3A_153], %add3A_131 {strides = array<i32>} : memref<20x5120xf32, #tpu.memory_space<vmem>>, vector<20x5120xf32>,
    %swap3A_155 = arith.constant 0 : index
    %swap3A_156 = arith.constant 0 : index
    %swap3A_157 = vector.load %arg5[%swap3A_155, %swap3A_156] : memref<20x5120xf32, #tpu.memory_space<vmem>>, vector<20x5120xf32>
    tpu.vector_store %arg5[%swap3A_155, %swap3A_156], %add3A_132 {strides = array<i32>} : memref<20x5120xf32, #tpu.memory_space<vmem>>, vector<20x5120xf32>,
    %swap3A_158 = arith.constant 0 : index
    %swap3A_159 = arith.constant 0 : index
    %swap3A_160 = vector.load %arg6[%swap3A_158, %swap3A_159] : memref<20x5120xf32, #tpu.memory_space<vmem>>, vector<20x5120xf32>
    tpu.vector_store %arg6[%swap3A_158, %swap3A_159], %add3A_133 {strides = array<i32>} : memref<20x5120xf32, #tpu.memory_space<vmem>>, vector<20x5120xf32>,
    %swap3A_161 = arith.constant 0 : index
    %swap3A_162 = arith.constant 0 : index
    %swap3A_163 = vector.load %arg7[%swap3A_161, %swap3A_162] : memref<20x5120xf32, #tpu.memory_space<vmem>>, vector<20x5120xf32>
    tpu.vector_store %arg7[%swap3A_161, %swap3A_162], %select_n3A {strides = array<i32>} : memref<20x5120xf32, #tpu.memory_space<vmem>>, vector<20x5120xf32>,
    %swap3A_164 = arith.constant 0 : index
    %swap3A_165 = arith.constant 0 : index
    %swap3A_166 = vector.load %arg8[%swap3A_164, %swap3A_165] : memref<20x5120xf32, #tpu.memory_space<vmem>>, vector<20x5120xf32>
    tpu.vector_store %arg8[%swap3A_164, %swap3A_165], %min3A_93 {strides = array<i32>} : memref<20x5120xf32, #tpu.memory_space<vmem>>, vector<20x5120xf32>,
    %swap3A_167 = arith.constant 0 : index
    %swap3A_168 = arith.constant 0 : index
    %swap3A_169 = vector.load %arg9[%swap3A_167, %swap3A_168] : memref<20x5120xf32, #tpu.memory_space<vmem>>, vector<20x5120xf32>
    tpu.vector_store %arg9[%swap3A_167, %swap3A_168], %min3A_103 {strides = array<i32>} : memref<20x5120xf32, #tpu.memory_space<vmem>>, vector<20x5120xf32>,
    %swap3A_170 = arith.constant 0 : index
    %swap3A_171 = arith.constant 0 : index
    %swap3A_172 = vector.load %arg10[%swap3A_170, %swap3A_171] : memref<20x5120xf32, #tpu.memory_space<vmem>>, vector<20x5120xf32>
    tpu.vector_store %arg10[%swap3A_170, %swap3A_171], %min3A_113 {strides = array<i32>} : memref<20x5120xf32, #tpu.memory_space<vmem>>, vector<20x5120xf32>,
    %swap3A_173 = arith.constant 0 : index
    %swap3A_174 = arith.constant 0 : index
    %swap3A_175 = vector.load %arg11[%swap3A_173, %swap3A_174] : memref<20x5120xf32, #tpu.memory_space<vmem>>, vector<20x5120xf32>
    tpu.vector_store %arg11[%swap3A_173, %swap3A_174], %min3A_123 {strides = array<i32>} : memref<20x5120xf32, #tpu.memory_space<vmem>>, vector<20x5120xf32>,
    %slice3A_176 = vector.extract_strided_slice %slice3A {offsets = [0, 0], sizes = [1, 1], strides = [1, 1]} : vector<20x5120xf32> to vector<1x1xf32>
    %swap3A_177 = arith.constant 0 : index
    %swap3A_178 = arith.constant 0 : index
    %swap3A_179 = vector.load %arg12[%swap3A_177, %swap3A_178] : memref<1x1xf32, #tpu.memory_space<vmem>>, vector<1x1xf32>
    tpu.vector_store %arg12[%swap3A_177, %swap3A_178], %slice3A_176 {strides = array<i32>} : memref<1x1xf32, #tpu.memory_space<vmem>>, vector<1x1xf32>,
    return
  }
}

module attributes {stable_mosaic.version = 14 : i64} {
  func.func @_bmax_body(%arg0: memref<1600x64xf32, #tpu.memory_space<vmem>>, %arg1: memref<1600xf32, #tpu.memory_space<vmem>>) attributes {dimension_semantics = [], scalar_prefetch = 0 : i64, scratch_operands = 0 : i64, tpu.core_type = #tpu.core_type<tc>} {
    %get3A = arith.constant 0 : index
    %get3A_0 = arith.constant 0 : index
    %get3A_1 = vector.load %arg0[%get3A, %get3A_0] : memref<1600x64xf32, #tpu.memory_space<vmem>>, vector<1600x64xf32>
    %reduce_max3A = arith.constant dense<0xFF800000> : vector<1600xf32>
    %reduce_max3A_2 = vector.multi_reduction <maximumf>, %get3A_1, %reduce_max3A [1] : vector<1600x64xf32> to vector<1600xf32>
    %swap3A = arith.constant 0 : index
    %swap3A_3 = vector.load %arg1[%swap3A] : memref<1600xf32, #tpu.memory_space<vmem>>, vector<1600xf32>
    tpu.vector_store %arg1[%swap3A], %reduce_max3A_2 {strides = array<i32>} : memref<1600xf32, #tpu.memory_space<vmem>>, vector<1600xf32>,
    return
  }
}

</mosaic_0001>

<sc_bundles>
// kernel: kernel.5.cloned.1.call-start
scs
__scs_entry_jumppad:
0x0: {  	(pc) =	sbr.rel $0x88, $3  }
0x1: {  	(tag) =	ssettag $0x0;
	lr =	simm.s32 $0x1  }
0x2: {  	[smem:$0x3F9E] =	sst lr;
	_ =	strace $0xD0000000  }
0x3: {  	_ = 	snop  }
0x4: {  	_ = 	snop  }
0x5: {  	_ = 	snop  }
0x6: {  	_ = 	snop  }
0x7: {  	_ = 	snop  }
__scs_overlays_trampoline_lowered:
0x8: {  	[smem:$0x3FAD] =	sst s0  }
0x9: {  	[smem:$0x3FAE] =	sst s1  }
0xa: {  	[smem:$0x3FAF] =	sst s2  }
0xb: {  	[smem:$0x3FB0] =	sst s3  }
0xc: {  	[smem:$0x3FB1] =	sst s4  }
0xd: {  	[smem:$0x3FB2] =	sst s5  }
0xe: {  	[smem:$0x3FB3] =	sst s6  }
0xf: {  	[smem:$0x3FB4] =	sst s7  }
0x10: {  	[smem:$0x3FB5] =	sst s8  }
0x11: {  	[smem:$0x3FB6] =	sst s9;
	s0 =	simm.s32 @!p0 $0x0  }
0x12: {  	s1 =	sld [smem:$0x3F9C];
	s0 =	simm.s32 @p0 $0x1  }
0x13: {  	[smem:$0x3FB7] =	sst s0;
	s0 =	simm.s32 @!p1 $0x0  }
0x14: {  	s2 =	sld [smem:$0x3F9B];
	s0 =	simm.s32 @p1 $0x1  }
0x15: {  	[smem:$0x3FB8] =	sst s0;
	s0 =	simm.s32 @!p2 $0x0  }
0x16: {  	s3 =	sld [smem:$0x3FDB];
	s0 =	simm.s32 @p2 $0x1  }
0x17: {  	s4 =	simm.s32 $0x1BF5;
	[smem:$0x3FBA] =	sst s0  }
0x18: {  	s0 =	sld [smem:$0x3F9D];
	_ =	swait.ge [sflag:s4], $0x0  }
0x19: {  	s7 =	sld [smem:$0x3F9E]  }
0x1a: {  	s8 =	sadd.s32 $0xFFFFE003, lr  }
0x1b: {  	s9 =	sadd.s32 $0xFFFFFEF7, lr;
	s5 =	simm.s32 $0xFFFFFFFF;
	p2 =	slt.u32 s8, $0xFFFFF086  }
0x1c: {  	p1 =	slt.u32 s9, $0xF7A;
	s5 =	simm.s32 @!p2 $0x0  }
0x1d: {  	s5 =	simm.s32 @p1 $0x1;
	p0 =	seq.s32 s7, s2  }
0x1e: {  	s7 =	smul.u32 @!p0 $0xF7A, s2;
	p2 =	seq.s32 @!p0 s5, $0x0  }
0x1f: {  	s9 =	smul.u32 $0xF7A, s1;
	s8 =	simm.s32 @!p0 $0x1BF5;
	p2 =	por !p2, p0  }
0x20: {  	[sflag:s8] =	ssyncset.s32 @!p0 $0xFFFFF086;
	s6 =	sadd.s32 @!p0 s3, s7;
	s7 =	simm.s32 @!p0 $0x108  }
0x21: {  	s3 =	sadd.s32 s3, s9;
	s6 =	sadd.s32 @!p0 $0x88, s6;
	s7 =	simm.s32 @p2 $0x1082  }
0x22: {  	[simem:s7], [sflag:s8] =	dma.local @!p0 [hbm:s6], $0xF7A  }
0x23: {  	s9 =	sor.u32 $0xD0000000, s2;
	s6 =	simm.s32 $0x108;
	_ =	swait.ge @!p0 [sflag:s8], $0x0  }
0x24: {  	s3 =	sadd.s32 $0x88, s3;
	s6 =	simm.s32 @!p1 $0x1082;
	[sflag:s4] =	ssyncset.s32 $0xFFFFF086  }
0x25: {  	[simem:s6], [sflag:s4] =	dma.local [hbm:s3], $0xF7A  }
0x26: {  	[smem:$0x3F9E] =	sst s1;
	(tag) =	ssettag s2;
	_ =	strace s9  }
0x27: {  	s1 =	sld [smem:$0x3FAE]  }
0x28: {  	s2 =	sld [smem:$0x3FAF]  }
0x29: {  	s4 =	sld [smem:$0x3FB1]  }
0x2a: {  	p0 =	seq.s32 s5, $0x0;
	s5 =	sld [smem:$0x3FB2]  }
0x2b: {  	s6 =	sld [smem:$0x3FB3]  }
0x2c: {  	s7 =	sld [smem:$0x3FB4]  }
0x2d: {  	s3 =	simm.s32 $0x108;
	s8 =	sld [smem:$0x3FB5]  }
0x2e: {  	s3 =	simm.s32 @!p0 $0x1082;
	s9 =	sld [smem:$0x3FB6]  }
0x2f: {  	lr =	sadd.s32 s0, s3;
	s0 =	sld [smem:$0x3FAD]  }
0x30: {  	s3 =	sld [smem:$0x3FB0]  }
0x31: {  	[smem:$0x3FB9] =	sst s10  }
0x32: {  	s10 =	sld [smem:$0x3FB7];
	_ =	sdelay $0x3  }
0x33: {  	p0 =	seq.s32 s10, $0x1;
	s10 =	sld [smem:$0x3FB9];
	_ =	sdelay $0x3  }
0x34: {  	[smem:$0x3FB9] =	sst s10  }
0x35: {  	s10 =	sld [smem:$0x3FB8];
	_ =	sdelay $0x3  }
0x36: {  	p1 =	seq.s32 s10, $0x1;
	s10 =	sld [smem:$0x3FB9];
	_ =	sdelay $0x3  }
0x37: {  	[smem:$0x3FB9] =	sst s10  }
0x38: {  	s10 =	sld [smem:$0x3FBA]  }
0x39: {  	_ = 	snop;
	(pc) =	sbr.ind lr, $3  }
0x3a: {  	_ = 	snop  }
0x3b: {  	_ = 	snop  }
0x3c: {  	p2 =	seq.s32 s10, $0x1;
	s10 =	sld [smem:$0x3FB9]  }
0x3d: {  	_ =	shalt  }
0x3e: {  	_ =	shalt  }
0x3f: {  	_ =	shalt  }
0x40: {  	_ =	shalt  }
0x41: {  	_ =	shalt  }
0x42: {  	_ =	shalt  }
0x43: {  	_ =	shalt  }
0x44: {  	_ =	shalt  }
0x45: {  	_ =	shalt  }
0x46: {  	_ =	shalt  }
0x47: {  	_ =	shalt  }
0x48: {  	_ =	shalt  }
0x49: {  	_ =	shalt  }
0x4a: {  	_ =	shalt  }
0x4b: {  	_ =	shalt  }
0x4c: {  	_ =	shalt  }
0x4d: {  	_ =	shalt  }
0x4e: {  	_ =	shalt  }
0x4f: {  	_ =	shalt  }
0x50: {  	_ =	shalt  }
0x51: {  	_ =	shalt  }
0x52: {  	_ =	shalt  }
0x53: {  	_ =	shalt  }
0x54: {  	_ =	shalt  }
0x55: {  	_ =	shalt  }
0x56: {  	_ =	shalt  }
0x57: {  	_ =	shalt  }
0x58: {  	_ =	shalt  }
0x59: {  	_ =	shalt  }
0x5a: {  	_ =	shalt  }
0x5b: {  	_ =	shalt  }
0x5c: {  	_ =	shalt  }
0x5d: {  	_ =	shalt  }
0x5e: {  	_ =	shalt  }
0x5f: {  	_ =	shalt  }
0x60: {  	_ =	shalt  }
0x61: {  	_ =	shalt  }
0x62: {  	_ =	shalt  }
0x63: {  	_ =	shalt  }
0x64: {  	_ =	shalt  }
0x65: {  	_ =	shalt  }
0x66: {  	_ =	shalt  }
0x67: {  	_ =	shalt  }
0x68: {  	_ =	shalt  }
0x69: {  	_ =	shalt  }
0x6a: {  	_ =	shalt  }
0x6b: {  	_ =	shalt  }
0x6c: {  	_ =	shalt  }
0x6d: {  	_ =	shalt  }
0x6e: {  	_ =	shalt  }
0x6f: {  	_ =	shalt  }
0x70: {  	_ =	shalt  }
0x71: {  	_ =	shalt  }
0x72: {  	_ =	shalt  }
0x73: {  	_ =	shalt  }
0x74: {  	_ =	shalt  }
0x75: {  	_ =	shalt  }
0x76: {  	_ =	shalt  }
0x77: {  	_ =	shalt  }
0x78: {  	_ =	shalt  }
0x79: {  	_ =	shalt  }
0x7a: {  	_ =	shalt  }
0x7b: {  	_ =	shalt  }
0x7c: {  	_ =	shalt  }
0x7d: {  	_ =	shalt  }
0x7e: {  	_ =	shalt  }
0x7f: {  	_ =	shalt  }
0x80: {  	_ =	shalt  }
0x81: {  	_ =	shalt  }
0x82: {  	_ =	shalt  }
0x83: {  	_ =	shalt  }
0x84: {  	_ =	shalt  }
0x85: {  	_ =	shalt  }
0x86: {  	_ =	shalt  }
0x87: {  	_ =	shalt  }
.Lfunc_end0:
.L_simem_size_0:
called_computation_lowered:
.L_overlay_start_0:
0x88: {  	s2 =	sld [smem:$0x3FD9]  }
0x89: {  	s3 =	sld [smem:$0x3FFE];
	_ =	sdelay $0x1  }
0x8a: {  	s1 =	srdreg.scid  }
0x8b: {  	s0 =	sand.u32 $0x1, s1  }
0x8c: {  	s16 =	sshll.u32 s0, $0xA;
	s2 =	sadd.s32 s3, s2  }
0x8d: {  	s2 =	sadd.s32 s2, s16  }
0x8e: {  	[smem:$0x3FC5] =	sst s2  }
0x8f: {  	_ = 	snop  }
0x90: {  	(tm) =	ssettm $0x1  }
0x91: {  	s17 =	sld [smem:$0x3FFB];
	_ =	sdelay $0x3  }
0x92: {  	_ =	strace s17  }
0x93: {  	s2 =	sld [smem:$0x3FFC];
	_ =	sdelay $0x3  }
0x94: {  	_ =	strace s2  }
0x95: {  	s2 =	sld [smem:$0x3FFD];
	_ =	sdelay $0x3  }
0x96: {  	_ =	strace s2  }
0x97: {  	_ =	strace $0x8FFFFFFF  }
0x98: {  	s18 =	sld [smem:$0x3FDB];
	_ =	sdelay $0x1  }
0x99: {  	s19 =	simm.s32 $_scs_section_size  }
0x9a: {  	s4 =	simm.s32 $_size__tile_overlayer_lowered;
	s5 =	simm.s32 $_tile_overlayer_lowered  }
0x9b: {  	s22 =	simm.s32 $0x1BFF;
	s21 =	sshll.u32 s5, $0x1;
	s2 =	sadd.s32 s19, s18  }
0x9c: {  	s6 =	simm.s32 $0x0;
	s20 =	sshll.u32 s4, $0x1;
	s4 =	sadd.s32 s21, s2  }
0x9d: {  	[timem:s6], [sflag:s22] =	dma.local [hbm:s4], s20  }
0x9e: {  	_ =	swait.ge [sflag:s22], s20  }
0x9f: {  	s3 =	ssub.s32 $0x0, s20;
	[sflag:s22] =	ssyncset.done $0x0  }
0xa0: {  	[sflag:s22] =	ssyncadd.s32 s3;
	_ =	sdelay $0x1  }
0xa1: {  	s23 =	simm.s32 $0x1B8B  }
0xa2: {  	_ =	swait.ge [sflag:s23], $0x1  }
0xa3: {  	[sflag:s23] =	ssyncset.done $0x0  }
0xa4: {  	s25 =	simm.s32 $0x1B8E;
	s24 =	sld [smem:$0x3FFE];
	[sflag:s23] =	ssyncadd.s32 $0xFFFFFFFF  }
0xa5: {  	s26 =	simm.s32 $execute0_lowered;
	[smem:$0x3FD2] =	sst s25  }
0xa6: {  	s4 =	sshll.u32 s26, $0x1;
	_ =	strace $0x80000046;
	[dreg:$0x1] =	wrdreg $0xFFFFFFFF  }
0xa7: {  	s28 =	simm.s32 $_size_execute0_lowered;
	s2 =	sadd.s32 s2, s4;
	[dreg:$0x0] =	wrdreg $0x0  }
0xa8: {  	s4 =	sshll.u32 s28, $0x1;
	[dreg:$0x2] =	wrdreg s2  }
0xa9: {  	[dreg:$0x3] =	wrdreg s4  }
0xaa: {  	[dreg:$0x4] =	wrdreg $0xC0  }
0xab: {  	_ =	task [dreg:s6], $0x5FFFF  }
0xac: {  	[dreg:$0x1] =	wrdreg $0xFFFFFFFF  }
0xad: {  	[dreg:$0x0] =	wrdreg $0x60  }
0xae: {  	[dreg:$0x2] =	wrdreg s24  }
0xaf: {  	[dreg:$0x3] =	wrdreg $0x9  }
0xb0: {  	_ =	task.clear_ibuf [dreg:s6], $0x4FFFF;
	_ =	strace $0x90000046  }
0xb1: {  	s29 =	simm.s32 $0x9;
	_ =	strace $0x80000048  }
0xb2: {  	_ =	swait.ge [sflag:s29], $0x1  }
0xb3: {  	[sflag:s29] =	ssyncadd.s32 $0xFFFFFFFF  }
0xb4: {  	_ =	strace $0x90000048  }
0xb5: {  	_ =	sfence  }
0xb6: {  	s30 =	sld [smem:$0x0];
	_ =	sdelay $0x2  }
0xb7: {  	s31 =	sshll.u32 s1, $0xD;
	s1 =	sshrl.u32 s1, $0x2  }
0xb8: {  	s3 =	sand.u32 $0x4000, s31;
	s1 =	sadd.s32 s1, s30  }
0xb9: {  	s0 =	sor.u32 s3, s0;
	s1 =	sshll.u32 s1, $0x11  }
0xba: {  	s0 =	sor.u32 s1, s0  }
0xbb: {  	s0 =	sadd.s32 $0x8F2B, s0  }
0xbc: {  	[sflag:s0] =	ssyncadd.remote.s32 $0x1  }
0xbd: {  	_ =	sfence.sel $0xFFFF  }
0xbe: {  	[dreg:$0x0] =	wrdreg $0xFFFFFFFF;
	(pc) =	sbr.abs _section_cstart, $3  }
0xbf: {  	[dreg:$0x1] =	wrdreg $0xFFFFFFFF  }
0xc0: {  	_ =	task.clear_ibuf [dreg:s6], $0x2FFFF;
	_ =	strace $0x9FFFFFFF  }
0xc1: {  	(tm) =	ssettm $0x7FFFFFFF  }
tec
execute0_lowered:
.L_overlay_start_1:
0x0: {  	(tag) =	ssettag $0x1  }
0x1: {  	s0 =	srdreg.scid  }
0x2: {  	s2 =	sand.u32 $0x1, s0;
	s0 =	stileid.u32  }
0x3: {  	s4 =	sor.u32 s0, s2  }
0x4: {  	p0 =	sne.s32 s4, $0x0  }
.Ltmp0:
0x5: {  	_ = 	snop;
	(pc) =	sbr.rel @p0 .LBB2_4-.Ltmp0, $3  }
0x6: {  	_ =	sdelay $0x1  }
0x7: {  	s3 =	rddreg [dreg:$0x0]  }
0x8: {  	s1 =	rddreg [dreg:$0x1];
	_ =	strace $0x80000047  }
0x9: {  	s4 =	ssub.s32 $0x2, s2  }
0xa: {  	s31 =	sshrl.u32 s4, $0x1  }
0xb: {  	s5 =	ssub.s32 s4, s31  }
0xc: {  	p0 =	sne.s32 s5, $0x1  }
.Ltmp1:
0xd: {  	_ = 	snop;
	(pc) =	sbr.rel @!p0 .LBB2_3-.Ltmp1, $4  }
0xe: {  	s2 =	sadd.s32 $0x3400, s3;
	s3 =	simm.s32 $0x1;
	s4 =	simm.s32 $0x0  }
0xf: {  	[hbm4b:s2+s4] =	stream.linear.scatter [tilespmem:s4], [sflag:$0x1], $0x680, $0x38;
	[tilespmem:$0x680] =	vst v63  }
0x10: {  	_ =	swait.ge [sflag:s3], $0x680  }
0x11: {  	s5 =	sadd.s32 $0xFFFFFFFF, s5;
	[sflag:s3] =	ssyncset.done $0x0  }
.LBB2_2:
0x12: {  	p0 =	sne.s32 s5, $0x1;
	s5 =	sadd.s32 $0xFFFFFFFF, s5;
	[sflag:s3] =	ssyncadd.s32 $0xFFFFF980  }
.Ltmp2:
0x13: {  	(pc) =	sbr.rel @p0 .LBB2_2-.Ltmp2, $4  }
0x14: {  	_ = 	snop  }
0x15: {  	[hbm4b:s2+s4] =	stream.linear.scatter [tilespmem:s4], [sflag:$0x1], $0x680, $0x38;
	[tilespmem:$0x680] =	vst v63  }
0x16: {  	_ =	swait.ge [sflag:s3], $0x680  }
0x17: {  	[sflag:s3] =	ssyncset.done $0x0  }
.LBB2_3:
0x18: {  	[sflag:s3] =	ssyncadd.s32 $0xFFFFF980  }
.LBB2_4:
0x19: {  	_ =	sfence.sel $0x180000  }
0x1a: {  	[bflag:$0x0] =	sbarrier.arrive $0xFFFF  }
0x1b: {  	p0 =	sne.s32 s0, $0x0;
	_ =	strace $0x90000047  }
0x1c: {  	s0 =	sadd.s32 @!p0 $0x100000, s1;
	[bflag:$0x2] =	sbarrier.arrive $0xFFFF  }
0x1d: {  	[sflag:s0] =	ssyncadd.tile.s32 @!p0 $0x1;
	_ =	shalt  }
.Lfunc_end2:
_tile_overlayer_lowered:
.L_overlay_start_2:
0x1e: {  	(tag) =	ssettag $0x2  }
0x1f: {  	s0 =	rddreg [dreg:$0x0];
	s2 =	stileid.u32  }
0x20: {  	s1 =	rddreg [dreg:$0x1];
	p0 =	sne.s32 s2, $0x0  }
0x21: {  	s3 =	rddreg [dreg:$0x2];
	[bflag:$0x3] =	sbarrier.arrive $0xFFFF;
	s2 =	simm.s32 @!p0 $0x1C01  }
0x22: {  	[timem:s3], [sflag:s2] =	dma.local @!p0 [hbm:s0], s1  }
0x23: {  	s0 =	simm.s32 @!p0 $0x1  }
0x24: {  	_ =	swait.ge @!p0 [sflag:s0], s1  }
0x25: {  	s1 =	ssub.s32 @!p0 $0x0, s1;
	[sflag:s0] =	ssyncset.done @!p0 $0x0  }
0x26: {  	[sflag:s0] =	ssyncadd.s32 @!p0 s1  }
0x27: {  	[bflag:$0x3] =	sbarrier.arrive $0xFFFF  }
0x28: {  	_ =	shalt  }

</sc_bundles>
